<compile_context>
chip_gen: v7x
topology: tpu7x:2x2x1
jax: 0.10.2.dev20260603
libtpu: 0.0.44.dev20260713+nightly
codegen_flags: <defaults>
</compile_context>

<pallas_src>
import jax
import jax.numpy as jnp
from jax import lax
from jax.experimental import pallas as pl
from jax.experimental.pallas import tpu as pltpu
from jax.experimental.pallas import tpu_sc as plsc

N = 1000000
D = 64
G = 512
BATCH = 4
NCELL = BATCH * G * G
OWNER_SHIFT = 15
CPB = 32768
NW = 32
LANES = 16
NROW = 62500
VPW = 1960
NPAD = NW * VPW * LANES
MLP_BLK = 12800
REG_ROWS = 79 * MLP_BLK
CHS = NPAD // 64


def _mlp_body(x_ref, w1_ref, b1_ref, w2_ref, b2_ref, o_ref):
    pid = pl.program_id(0)
    h = jnp.maximum(x_ref[...] @ w1_ref[...] + b1_ref[...], 0.0)
    r = jnp.maximum(h @ w2_ref[...] + b2_ref[...], 0.0)
    cols = pid * MLP_BLK + lax.broadcasted_iota(jnp.int32, (1, MLP_BLK), 1)
    o_ref[...] = jnp.where(cols < N, r.T, 0.0)


def _mlp_call(x, W1, b1, W2, b2):
    return pl.pallas_call(
        _mlp_body,
        grid=(REG_ROWS // MLP_BLK,),
        in_specs=[
            pl.BlockSpec((MLP_BLK, D), lambda i: (i, 0)),
            pl.BlockSpec((D, 32), lambda i: (0, 0)),
            pl.BlockSpec((1, 32), lambda i: (0, 0)),
            pl.BlockSpec((32, 2), lambda i: (0, 0)),
            pl.BlockSpec((1, 2), lambda i: (0, 0)),
        ],
        out_specs=pl.BlockSpec((2, MLP_BLK), lambda i: (0, i)),
        out_shape=jax.ShapeDtypeStruct((2, REG_ROWS), jnp.float32),
    )(x, W1, b1.reshape(1, 32), W2, b2.reshape(1, 2))


def _cells_body(b_ref, x_ref, y_ref, c_ref):
    i = pl.program_id(0)
    rows = i * VPW + lax.broadcasted_iota(jnp.int32, (VPW, LANES), 0)
    valid = rows < NROW
    cell = (b_ref[...] * G + x_ref[...]) * G + y_ref[...]
    c_ref[...] = jnp.where(valid, cell, NCELL)


def _cells_call(ib2, ix2, iy2):
    spec_in = pl.BlockSpec((VPW, LANES), lambda i: (i, 0))
    return pl.pallas_call(
        _cells_body,
        grid=(NW,),
        in_specs=[spec_in, spec_in, spec_in],
        out_specs=pl.BlockSpec((VPW, LANES), lambda i: (i, 0)),
        out_shape=jax.ShapeDtypeStruct((NW * VPW, LANES), jnp.int32),
    )(ib2, ix2, iy2)


_MESH = dict(core_axis_name="c", subcore_axis_name="s")


def _apply_body(cells_hbm, reg0_hbm, reg1_hbm, out0_hbm, out1_hbm,
                W, vals0, vals1, cbuf, sem):
    wid = lax.axis_index("s") * 2 + lax.axis_index("c")
    iota = lax.iota(jnp.int32, LANES)

    def initw(v, carry):
        W[pl.ds(v * 16, 16)] = jnp.full((LANES,), -1, jnp.int32)
        return carry

    lax.fori_loop(0, CPB // 16, initw, 0)

    def chunk_body(g, carry):
        pltpu.sync_copy(cells_hbm.at[pl.ds(g * CHS, CHS)], cbuf)
        base = g * CHS

        def vbody(v, c2):
            for u in range(4):
                k = v * 4 + u
                c = cbuf[pl.ds(k * 16, 16)]
                owner = lax.shift_right_logical(c, OWNER_SHIFT)
                mine = owner == wid
                ii = base + k * 16 + iota
                local = jnp.bitwise_and(c, CPB - 1)
                w0 = plsc.load_gather(W, [local])
                plsc.store_scatter(W, [local], ii, mask=mine & (ii > w0))
            return c2

        lax.fori_loop(0, CHS // 64, vbody, 0)
        return carry

    lax.fori_loop(0, NPAD // CHS, chunk_body, 0)

    def fixw(v, carry):
        w = W[pl.ds(v * 16, 16)]
        W[pl.ds(v * 16, 16)] = jnp.where(w < 0, jnp.full((LANES,), N, jnp.int32), w)
        return carry

    lax.fori_loop(0, CPB // 16, fixw, 0)

    def gbody(g, carry):
        pltpu.async_copy(reg0_hbm.at[W.at[pl.ds(g * 128, 128)]],
                         vals0.at[pl.ds(g * 128, 128)], sem)
        pltpu.async_copy(reg1_hbm.at[W.at[pl.ds(g * 128, 128)]],
                         vals1.at[pl.ds(g * 128, 128)], sem)

        @pl.when(g >= 8)
        def _drain_one():
            pltpu.make_async_copy(reg0_hbm.at[W.at[pl.ds(0, 128)]],
                                  vals0.at[pl.ds(0, 128)], sem).wait()
            pltpu.make_async_copy(reg1_hbm.at[W.at[pl.ds(0, 128)]],
                                  vals1.at[pl.ds(0, 128)], sem).wait()

        return carry

    lax.fori_loop(0, CPB // 128, gbody, 0)

    def gdrain(g, carry):
        pltpu.make_async_copy(reg0_hbm.at[W.at[pl.ds(0, 128)]],
                              vals0.at[pl.ds(0, 128)], sem).wait()
        pltpu.make_async_copy(reg1_hbm.at[W.at[pl.ds(0, 128)]],
                              vals1.at[pl.ds(0, 128)], sem).wait()
        return carry

    lax.fori_loop(0, 8, gdrain, 0)
    pltpu.sync_copy(vals0, out0_hbm.at[pl.ds(wid * CPB, CPB)])
    pltpu.sync_copy(vals1, out1_hbm.at[pl.ds(wid * CPB, CPB)])


def _apply_call(cells1, reg0, reg1):
    mesh = plsc.VectorSubcoreMesh(**_MESH)
    f = pl.kernel(
        _apply_body,
        out_type=(
            jax.ShapeDtypeStruct((NCELL,), jnp.float32),
            jax.ShapeDtypeStruct((NCELL,), jnp.float32),
        ),
        mesh=mesh,
        compiler_params=pltpu.CompilerParams(needs_layout_passes=False),
        scratch_types=[
            pltpu.VMEM((CPB,), jnp.int32),
            pltpu.VMEM((CPB,), jnp.float32),
            pltpu.VMEM((CPB,), jnp.float32),
            pltpu.VMEM((CHS,), jnp.int32),
            pltpu.SemaphoreType.DMA,
        ],
    )
    return f(cells1, reg0, reg1)


def kernel(x, inds_b, inds_x, inds_y, W1, b1, W2, b2):
    reg = _mlp_call(x, W1, b1, W2, b2)
    reg0 = reg[0]
    reg1 = reg[1]
    ib2 = inds_b.reshape(NROW, LANES)
    ix2 = inds_x.reshape(NROW, LANES)
    iy2 = inds_y.reshape(NROW, LANES)
    cells2d = _cells_call(ib2, ix2, iy2)
    out0, out1 = _apply_call(cells2d.reshape(-1), reg0, reg1)
    return jnp.stack([out0, out1], axis=-1).reshape(BATCH, G, G, 2)

# --- scband reference (transcript-rebuilt; emitter-appended) ---
"""Pipeline reference for scband-hevi-bev-48576080117799 (READ-ONLY COPY).

The authoritative reference and input builder live on the scoring server;
editing this copy changes nothing except your own understanding.
"""

import jax, jax.numpy as jnp
import numpy as np

N = 1000000   # total voxel-center points across batch
D = 64        # in_dim of reg head
B = 4         # batch size
SIZE = 256    # BEV half-size -> grid is 2*SIZE per side
G = 2 * SIZE


def setup_inputs(seed: int = 0) -> dict:
    key = jax.random.key(seed)
    k1, k2, k3, k4, k5, k6 = jax.random.split(key, 6)
    x = jax.random.normal(k1, (N, D), dtype=jnp.float32)
    inds_b = jax.random.randint(k2, (N,), 0, B, dtype=jnp.int64) if jax.config.jax_enable_x64 else jax.random.randint(k2, (N,), 0, B).astype(jnp.int32)
    inds_x = jax.random.randint(k3, (N,), 0, G).astype(jnp.int32)
    inds_y = jax.random.randint(k4, (N,), 0, G).astype(jnp.int32)
    inds_b = inds_b.astype(jnp.int32)
    # linear_last(in_dim, 32, 2): Linear(D,32) + ReLU + Linear(32,2)
    W1 = jax.random.normal(k5, (D, 32), dtype=jnp.float32) * (1.0 / np.sqrt(D))
    b1 = jnp.zeros((32,), dtype=jnp.float32)
    W2 = jax.random.normal(k6, (32, 2), dtype=jnp.float32) * (1.0 / np.sqrt(32))
    b2 = jnp.zeros((2,), dtype=jnp.float32)
    return {"x": x, "inds_b": inds_b, "inds_x": inds_x, "inds_y": inds_y,
            "W1": W1, "b1": b1, "W2": W2, "b2": b2}


def reference(x, inds_b, inds_x, inds_y, W1, b1, W2, b2):
    # reg head: linear_last(in_dim, 32, 2)
    h = jax.nn.relu(x @ W1 + b1)
    reg = h @ W2 + b2
    # draw_distribution: reg_evi = reg.relu(); scatter-overwrite into BEV evidence grid
    reg_evi = jax.nn.relu(reg)
    evidence = jnp.zeros((B, G, G, 2), dtype=jnp.float32)
    evidence = evidence.at[inds_b, inds_x, inds_y].set(reg_evi)
    return evidence

if __name__ == "__main__":
    import jax
    _d = setup_inputs()
    print(jax.jit(kernel)(*tuple(_d.values())))

</pallas_src>

<mosaic_0001>
#map = affine_map<(d0, d1) -> (0)>
module attributes {stable_mosaic.version = 14 : i64} {
  func.func @_apply_body(%arg0: i32, %arg1: i32, %arg2: memref<1003520xi32, #tpu.memory_space<hbm>>, %arg3: memref<1011200xf32, #tpu.memory_space<hbm>>, %arg4: memref<1011200xf32, #tpu.memory_space<hbm>>, %arg5: memref<1048576xf32, #tpu.memory_space<hbm>>, %arg6: memref<1048576xf32, #tpu.memory_space<hbm>>, %arg7: memref<32768xi32, #tpu.memory_space<vmem>>, %arg8: memref<32768xf32, #tpu.memory_space<vmem>>, %arg9: memref<32768xf32, #tpu.memory_space<vmem>>, %arg10: memref<15680xi32, #tpu.memory_space<vmem>>, %arg11: memref<!tpu.dma_semaphore, #tpu.memory_space<semaphore_mem>>) attributes {dimension_semantics = [#tpu.dimension_semantics<core_parallel>, #tpu.dimension_semantics<subcore_parallel>], iteration_bounds = array<i64: 2, 16>, scalar_prefetch = 0 : i64, scratch_operands = 5 : i64, tpu.core_type = #tpu.core_type<sc_vector_subcore>, window_params = [{transform_indices = #map}, {transform_indices = #map}, {transform_indices = #map}, {transform_indices = #map}, {transform_indices = #map}]} {
    %mul3A = arith.constant 2 : i32
    %mul3A_0 = arith.muli %arg1, %mul3A : i32
    %add3A = arith.addi %mul3A_0, %arg0 : i32
    %iota3A = tpu.iota {dimensions = array<i32: 0>} : vector<16xi32>
    %scan3A = arith.constant 0 : i32
    %scan3A_1 = arith.constant 0 : i32
    %scan3A_2 = arith.constant 2048 : i32
    %scan3A_3 = arith.addi %scan3A_1, %scan3A_2 : i32
    %scan3A_4 = arith.constant 1 : i32
    scf.for %scan3A_34 = %scan3A_1 to %scan3A_3 step %scan3A_4  : i32 {
      %broadcast_in_dim3A = arith.constant -1 : i32
      %broadcast_in_dim3A_35 = vector.broadcast %broadcast_in_dim3A : i32 to vector<16xi32>
      %mul3A_36 = arith.constant 16 : i32
      %mul3A_37 = arith.muli %scan3A_34, %mul3A_36 : i32
      %swap3A = arith.index_cast %mul3A_37 : i32 to index
      %swap3A_38 = tpu.vector_load %arg7[%swap3A] {strides = array<i32>} : memref<32768xi32, #tpu.memory_space<vmem>>, vector<16xi32>,
      tpu.vector_store %arg7[%swap3A], %broadcast_in_dim3A_35 {strides = array<i32>} : memref<32768xi32, #tpu.memory_space<vmem>>, vector<16xi32>,
    }
    %scan3A_5 = arith.constant 2048 : i32
    %scan3A_6 = arith.constant 0 : i32
    %scan3A_7 = arith.constant 0 : i32
    %scan3A_8 = arith.constant 64 : i32
    %scan3A_9 = arith.addi %scan3A_7, %scan3A_8 : i32
    %scan3A_10 = arith.constant 1 : i32
    scf.for %scan3A_34 = %scan3A_7 to %scan3A_9 step %scan3A_10  : i32 {
      %mul3A_35 = arith.constant 15680 : i32
      %mul3A_36 = arith.muli %scan3A_34, %mul3A_35 : i32
      "tpu.region"() ({
        %run_scoped3A = tpu.sem_alloc : memref<!tpu.dma_semaphore, #tpu.memory_space<semaphore_mem>>
        %dma_start3A = tpu.memref_slice %arg2[%mul3A_36] : memref<1003520xi32, #tpu.memory_space<hbm>> -> memref<15680xi32, #tpu.memory_space<hbm>>
        %dma_start3A_45 = tpu.memref_slice %arg2[%mul3A_36] : memref<1003520xi32, #tpu.memory_space<hbm>> -> memref<15680xi32, #tpu.memory_space<hbm>>
        tpu.enqueue_dma source(%dma_start3A_45 : memref<15680xi32, #tpu.memory_space<hbm>>) target(%arg10 : memref<15680xi32, #tpu.memory_space<vmem>>) target_semaphore(%run_scoped3A : memref<!tpu.dma_semaphore, #tpu.memory_space<semaphore_mem>>)
        %dma_wait3A = tpu.memref_slice %arg2[%mul3A_36] : memref<1003520xi32, #tpu.memory_space<hbm>> -> memref<15680xi32, #tpu.memory_space<hbm>>
        %dma_wait3A_46 = tpu.memref_slice %arg2[%mul3A_36] : memref<1003520xi32, #tpu.memory_space<hbm>> -> memref<15680xi32, #tpu.memory_space<hbm>>
        tpu.wait_dma2 semaphore(%run_scoped3A : memref<!tpu.dma_semaphore, #tpu.memory_space<semaphore_mem>>) src(%dma_wait3A_46 : memref<15680xi32, #tpu.memory_space<hbm>>) dst(%arg10 : memref<15680xi32, #tpu.memory_space<vmem>>)
        tpu.yield
      }) : () -> ()
      %mul3A_37 = arith.constant 15680 : i32
      %mul3A_38 = arith.muli %scan3A_34, %mul3A_37 : i32
      %scan3A_39 = arith.constant 0 : i32
      %scan3A_40 = arith.constant 0 : i32
      %scan3A_41 = arith.constant 245 : i32
      %scan3A_42 = arith.addi %scan3A_40, %scan3A_41 : i32
      %scan3A_43 = arith.constant 1 : i32
      scf.for %scan3A_45 = %scan3A_40 to %scan3A_42 step %scan3A_43  : i32 {
        %mul3A_46 = arith.constant 4 : i32
        %mul3A_47 = arith.muli %scan3A_45, %mul3A_46 : i32
        %add3A_48 = arith.constant 0 : i32
        %add3A_49 = arith.addi %mul3A_47, %add3A_48 : i32
        %mul3A_50 = arith.constant 16 : i32
        %mul3A_51 = arith.muli %add3A_49, %mul3A_50 : i32
        %get3A = arith.index_cast %mul3A_51 : i32 to index
        %get3A_52 = tpu.vector_load %arg10[%get3A] {strides = array<i32>} : memref<15680xi32, #tpu.memory_space<vmem>>, vector<16xi32>,
        %shift_right_logical3A = arith.constant 15 : i32
        %shift_right_logical3A_53 = vector.broadcast %shift_right_logical3A : i32 to vector<16xi32>
        %shift_right_logical3A_54 = arith.shrui %get3A_52, %shift_right_logical3A_53 : vector<16xi32>
        %eq3A = vector.broadcast %add3A : i32 to vector<16xi32>
        %eq3A_55 = arith.cmpi eq, %shift_right_logical3A_54, %eq3A : vector<16xi32>
        %mul3A_56 = arith.constant 16 : i32
        %mul3A_57 = arith.muli %add3A_49, %mul3A_56 : i32
        %add3A_58 = arith.addi %mul3A_38, %mul3A_57 : i32
        %add3A_59 = vector.broadcast %add3A_58 : i32 to vector<16xi32>
        %add3A_60 = arith.addi %add3A_59, %iota3A : vector<16xi32>
        %and3A = arith.constant 32767 : i32
        %and3A_61 = vector.broadcast %and3A : i32 to vector<16xi32>
        %and3A_62 = arith.andi %get3A_52, %and3A_61 : vector<16xi32>
        %gather3A = tpu.vector_load_idx %arg7[%and3A_62] : memref<32768xi32, #tpu.memory_space<vmem>>[vector<16xi32>], vector<16xi32>,
        %gt3A = arith.cmpi sgt, %add3A_60, %gather3A : vector<16xi32>
        %and3A_63 = arith.andi %eq3A_55, %gt3A : vector<16xi1>
        tpu.vector_store_idx %arg7[%and3A_62], %add3A_60 masked %and3A_63 : memref<32768xi32, #tpu.memory_space<vmem>>[vector<16xi32>], vector<16xi32>, vector<16xi1>
        %mul3A_64 = arith.constant 4 : i32
        %mul3A_65 = arith.muli %scan3A_45, %mul3A_64 : i32
        %add3A_66 = arith.constant 1 : i32
        %add3A_67 = arith.addi %mul3A_65, %add3A_66 : i32
        %mul3A_68 = arith.constant 16 : i32
        %mul3A_69 = arith.muli %add3A_67, %mul3A_68 : i32
        %get3A_70 = arith.index_cast %mul3A_69 : i32 to index
        %get3A_71 = tpu.vector_load %arg10[%get3A_70] {strides = array<i32>} : memref<15680xi32, #tpu.memory_space<vmem>>, vector<16xi32>,
        %shift_right_logical3A_72 = arith.constant 15 : i32
        %shift_right_logical3A_73 = vector.broadcast %shift_right_logical3A_72 : i32 to vector<16xi32>
        %shift_right_logical3A_74 = arith.shrui %get3A_71, %shift_right_logical3A_73 : vector<16xi32>
        %eq3A_75 = vector.broadcast %add3A : i32 to vector<16xi32>
        %eq3A_76 = arith.cmpi eq, %shift_right_logical3A_74, %eq3A_75 : vector<16xi32>
        %mul3A_77 = arith.constant 16 : i32
        %mul3A_78 = arith.muli %add3A_67, %mul3A_77 : i32
        %add3A_79 = arith.addi %mul3A_38, %mul3A_78 : i32
        %add3A_80 = vector.broadcast %add3A_79 : i32 to vector<16xi32>
        %add3A_81 = arith.addi %add3A_80, %iota3A : vector<16xi32>
        %and3A_82 = arith.constant 32767 : i32
        %and3A_83 = vector.broadcast %and3A_82 : i32 to vector<16xi32>
        %and3A_84 = arith.andi %get3A_71, %and3A_83 : vector<16xi32>
        %gather3A_85 = tpu.vector_load_idx %arg7[%and3A_84] : memref<32768xi32, #tpu.memory_space<vmem>>[vector<16xi32>], vector<16xi32>,
        %gt3A_86 = arith.cmpi sgt, %add3A_81, %gather3A_85 : vector<16xi32>
        %and3A_87 = arith.andi %eq3A_76, %gt3A_86 : vector<16xi1>
        tpu.vector_store_idx %arg7[%and3A_84], %add3A_81 masked %and3A_87 : memref<32768xi32, #tpu.memory_space<vmem>>[vector<16xi32>], vector<16xi32>, vector<16xi1>
        %mul3A_88 = arith.constant 4 : i32
        %mul3A_89 = arith.muli %scan3A_45, %mul3A_88 : i32
        %add3A_90 = arith.constant 2 : i32
        %add3A_91 = arith.addi %mul3A_89, %add3A_90 : i32
        %mul3A_92 = arith.constant 16 : i32
        %mul3A_93 = arith.muli %add3A_91, %mul3A_92 : i32
        %get3A_94 = arith.index_cast %mul3A_93 : i32 to index
        %get3A_95 = tpu.vector_load %arg10[%get3A_94] {strides = array<i32>} : memref<15680xi32, #tpu.memory_space<vmem>>, vector<16xi32>,
        %shift_right_logical3A_96 = arith.constant 15 : i32
        %shift_right_logical3A_97 = vector.broadcast %shift_right_logical3A_96 : i32 to vector<16xi32>
        %shift_right_logical3A_98 = arith.shrui %get3A_95, %shift_right_logical3A_97 : vector<16xi32>
        %eq3A_99 = vector.broadcast %add3A : i32 to vector<16xi32>
        %eq3A_100 = arith.cmpi eq, %shift_right_logical3A_98, %eq3A_99 : vector<16xi32>
        %mul3A_101 = arith.constant 16 : i32
        %mul3A_102 = arith.muli %add3A_91, %mul3A_101 : i32
        %add3A_103 = arith.addi %mul3A_38, %mul3A_102 : i32
        %add3A_104 = vector.broadcast %add3A_103 : i32 to vector<16xi32>
        %add3A_105 = arith.addi %add3A_104, %iota3A : vector<16xi32>
        %and3A_106 = arith.constant 32767 : i32
        %and3A_107 = vector.broadcast %and3A_106 : i32 to vector<16xi32>
        %and3A_108 = arith.andi %get3A_95, %and3A_107 : vector<16xi32>
        %gather3A_109 = tpu.vector_load_idx %arg7[%and3A_108] : memref<32768xi32, #tpu.memory_space<vmem>>[vector<16xi32>], vector<16xi32>,
        %gt3A_110 = arith.cmpi sgt, %add3A_105, %gather3A_109 : vector<16xi32>
        %and3A_111 = arith.andi %eq3A_100, %gt3A_110 : vector<16xi1>
        tpu.vector_store_idx %arg7[%and3A_108], %add3A_105 masked %and3A_111 : memref<32768xi32, #tpu.memory_space<vmem>>[vector<16xi32>], vector<16xi32>, vector<16xi1>
        %mul3A_112 = arith.constant 4 : i32
        %mul3A_113 = arith.muli %scan3A_45, %mul3A_112 : i32
        %add3A_114 = arith.constant 3 : i32
        %add3A_115 = arith.addi %mul3A_113, %add3A_114 : i32
        %mul3A_116 = arith.constant 16 : i32
        %mul3A_117 = arith.muli %add3A_115, %mul3A_116 : i32
        %get3A_118 = arith.index_cast %mul3A_117 : i32 to index
        %get3A_119 = tpu.vector_load %arg10[%get3A_118] {strides = array<i32>} : memref<15680xi32, #tpu.memory_space<vmem>>, vector<16xi32>,
        %shift_right_logical3A_120 = arith.constant 15 : i32
        %shift_right_logical3A_121 = vector.broadcast %shift_right_logical3A_120 : i32 to vector<16xi32>
        %shift_right_logical3A_122 = arith.shrui %get3A_119, %shift_right_logical3A_121 : vector<16xi32>
        %eq3A_123 = vector.broadcast %add3A : i32 to vector<16xi32>
        %eq3A_124 = arith.cmpi eq, %shift_right_logical3A_122, %eq3A_123 : vector<16xi32>
        %mul3A_125 = arith.constant 16 : i32
        %mul3A_126 = arith.muli %add3A_115, %mul3A_125 : i32
        %add3A_127 = arith.addi %mul3A_38, %mul3A_126 : i32
        %add3A_128 = vector.broadcast %add3A_127 : i32 to vector<16xi32>
        %add3A_129 = arith.addi %add3A_128, %iota3A : vector<16xi32>
        %and3A_130 = arith.constant 32767 : i32
        %and3A_131 = vector.broadcast %and3A_130 : i32 to vector<16xi32>
        %and3A_132 = arith.andi %get3A_119, %and3A_131 : vector<16xi32>
        %gather3A_133 = tpu.vector_load_idx %arg7[%and3A_132] : memref<32768xi32, #tpu.memory_space<vmem>>[vector<16xi32>], vector<16xi32>,
        %gt3A_134 = arith.cmpi sgt, %add3A_129, %gather3A_133 : vector<16xi32>
        %and3A_135 = arith.andi %eq3A_124, %gt3A_134 : vector<16xi1>
        tpu.vector_store_idx %arg7[%and3A_132], %add3A_129 masked %and3A_135 : memref<32768xi32, #tpu.memory_space<vmem>>[vector<16xi32>], vector<16xi32>, vector<16xi1>
      }
      %scan3A_44 = arith.constant 245 : i32
    }
    %scan3A_11 = arith.constant 64 : i32
    %scan3A_12 = arith.constant 0 : i32
    %scan3A_13 = arith.constant 0 : i32
    %scan3A_14 = arith.constant 2048 : i32
    %scan3A_15 = arith.addi %scan3A_13, %scan3A_14 : i32
    %scan3A_16 = arith.constant 1 : i32
    scf.for %scan3A_34 = %scan3A_13 to %scan3A_15 step %scan3A_16  : i32 {
      %mul3A_35 = arith.constant 16 : i32
      %mul3A_36 = arith.muli %scan3A_34, %mul3A_35 : i32
      %get3A = arith.index_cast %mul3A_36 : i32 to index
      %get3A_37 = tpu.vector_load %arg7[%get3A] {strides = array<i32>} : memref<32768xi32, #tpu.memory_space<vmem>>, vector<16xi32>,
      %lt3A = arith.constant 0 : i32
      %lt3A_38 = vector.broadcast %lt3A : i32 to vector<16xi32>
      %lt3A_39 = arith.cmpi slt, %get3A_37, %lt3A_38 : vector<16xi32>
      %broadcast_in_dim3A = arith.constant 1000000 : i32
      %broadcast_in_dim3A_40 = vector.broadcast %broadcast_in_dim3A : i32 to vector<16xi32>
      %select_n3A = arith.select %lt3A_39, %broadcast_in_dim3A_40, %get3A_37 : vector<16xi1>, vector<16xi32>
      %mul3A_41 = arith.constant 16 : i32
      %mul3A_42 = arith.muli %scan3A_34, %mul3A_41 : i32
      %swap3A = arith.index_cast %mul3A_42 : i32 to index
      %swap3A_43 = tpu.vector_load %arg7[%swap3A] {strides = array<i32>} : memref<32768xi32, #tpu.memory_space<vmem>>, vector<16xi32>,
      tpu.vector_store %arg7[%swap3A], %select_n3A {strides = array<i32>} : memref<32768xi32, #tpu.memory_space<vmem>>, vector<16xi32>,
    }
    %scan3A_17 = arith.constant 2048 : i32
    %scan3A_18 = arith.constant 0 : i32
    %scan3A_19 = arith.constant 0 : i32
    %scan3A_20 = arith.constant 256 : i32
    %scan3A_21 = arith.addi %scan3A_19, %scan3A_20 : i32
    %scan3A_22 = arith.constant 1 : i32
    scf.for %scan3A_34 = %scan3A_19 to %scan3A_21 step %scan3A_22  : i32 {
      %mul3A_35 = arith.constant 128 : i32
      %mul3A_36 = arith.muli %scan3A_34, %mul3A_35 : i32
      %mul3A_37 = arith.constant 128 : i32
      %mul3A_38 = arith.muli %scan3A_34, %mul3A_37 : i32
      %dma_start3A = tpu.memref_slice %arg8[%mul3A_38] : memref<32768xf32, #tpu.memory_space<vmem>> -> memref<128xf32, #tpu.memory_space<vmem>>
      %dma_start3A_39 = tpu.memref_slice %arg7[%mul3A_36] : memref<32768xi32, #tpu.memory_space<vmem>> -> memref<128xi32, #tpu.memory_space<vmem>>
      %dma_start3A_40 = arith.constant 0 : i32
      %dma_start3A_41 = tpu.memref_slice %arg3[%dma_start3A_40] : memref<1011200xf32, #tpu.memory_space<hbm>> -> memref<1011200xf32, #tpu.memory_space<hbm>>
      tpu.enqueue_indirect_dma source(%dma_start3A_41 : memref<1011200xf32, #tpu.memory_space<hbm>>) target(%dma_start3A : memref<128xf32, #tpu.memory_space<vmem>>) offsets(%dma_start3A_39 : memref<128xi32, #tpu.memory_space<vmem>>) semaphore(%arg11 : memref<!tpu.dma_semaphore, #tpu.memory_space<semaphore_mem>>)
      %mul3A_42 = arith.constant 128 : i32
      %mul3A_43 = arith.muli %scan3A_34, %mul3A_42 : i32
      %mul3A_44 = arith.constant 128 : i32
      %mul3A_45 = arith.muli %scan3A_34, %mul3A_44 : i32
      %dma_start3A_46 = tpu.memref_slice %arg9[%mul3A_45] : memref<32768xf32, #tpu.memory_space<vmem>> -> memref<128xf32, #tpu.memory_space<vmem>>
      %dma_start3A_47 = tpu.memref_slice %arg7[%mul3A_43] : memref<32768xi32, #tpu.memory_space<vmem>> -> memref<128xi32, #tpu.memory_space<vmem>>
      %dma_start3A_48 = arith.constant 0 : i32
      %dma_start3A_49 = tpu.memref_slice %arg4[%dma_start3A_48] : memref<1011200xf32, #tpu.memory_space<hbm>> -> memref<1011200xf32, #tpu.memory_space<hbm>>
      tpu.enqueue_indirect_dma source(%dma_start3A_49 : memref<1011200xf32, #tpu.memory_space<hbm>>) target(%dma_start3A_46 : memref<128xf32, #tpu.memory_space<vmem>>) offsets(%dma_start3A_47 : memref<128xi32, #tpu.memory_space<vmem>>) semaphore(%arg11 : memref<!tpu.dma_semaphore, #tpu.memory_space<semaphore_mem>>)
      %ge3A = arith.constant 8 : i32
      %ge3A_50 = arith.cmpi sge, %scan3A_34, %ge3A : i32
      %convert_element_type3A = arith.extui %ge3A_50 : i1 to i32
      %cond3A = arith.constant 0 : i32
      %cond3A_51 = arith.cmpi ne, %convert_element_type3A, %cond3A : i32
      scf.if %cond3A_51 {
        %dma_wait3A = arith.constant 0 : i32
        %dma_wait3A_52 = tpu.memref_slice %arg8[%dma_wait3A] : memref<32768xf32, #tpu.memory_space<vmem>> -> memref<128xf32, #tpu.memory_space<vmem>>
        %dma_wait3A_53 = arith.constant 0 : i32
        %dma_wait3A_54 = tpu.memref_slice %arg7[%dma_wait3A_53] : memref<32768xi32, #tpu.memory_space<vmem>> -> memref<128xi32, #tpu.memory_space<vmem>>
        %dma_wait3A_55 = arith.constant 0 : i32
        %dma_wait3A_56 = tpu.memref_slice %arg3[%dma_wait3A_55] : memref<1011200xf32, #tpu.memory_space<hbm>> -> memref<1011200xf32, #tpu.memory_space<hbm>>
        tpu.wait_indirect_dma semaphore(%arg11 : memref<!tpu.dma_semaphore, #tpu.memory_space<semaphore_mem>>) src(%dma_wait3A_56 : memref<1011200xf32, #tpu.memory_space<hbm>>) dst(%dma_wait3A_52 : memref<128xf32, #tpu.memory_space<vmem>>)
        %dma_wait3A_57 = arith.constant 0 : i32
        %dma_wait3A_58 = tpu.memref_slice %arg9[%dma_wait3A_57] : memref<32768xf32, #tpu.memory_space<vmem>> -> memref<128xf32, #tpu.memory_space<vmem>>
        %dma_wait3A_59 = arith.constant 0 : i32
        %dma_wait3A_60 = tpu.memref_slice %arg7[%dma_wait3A_59] : memref<32768xi32, #tpu.memory_space<vmem>> -> memref<128xi32, #tpu.memory_space<vmem>>
        %dma_wait3A_61 = arith.constant 0 : i32
        %dma_wait3A_62 = tpu.memref_slice %arg4[%dma_wait3A_61] : memref<1011200xf32, #tpu.memory_space<hbm>> -> memref<1011200xf32, #tpu.memory_space<hbm>>
        tpu.wait_indirect_dma semaphore(%arg11 : memref<!tpu.dma_semaphore, #tpu.memory_space<semaphore_mem>>) src(%dma_wait3A_62 : memref<1011200xf32, #tpu.memory_space<hbm>>) dst(%dma_wait3A_58 : memref<128xf32, #tpu.memory_space<vmem>>)
      } else {
      }
    }
    %scan3A_23 = arith.constant 256 : i32
    %scan3A_24 = arith.constant 0 : i32
    %scan3A_25 = arith.constant 0 : i32
    %scan3A_26 = arith.constant 8 : i32
    %scan3A_27 = arith.addi %scan3A_25, %scan3A_26 : i32
    %scan3A_28 = arith.constant 1 : i32
    scf.for %scan3A_34 = %scan3A_25 to %scan3A_27 step %scan3A_28  : i32 {
      %dma_wait3A = arith.constant 0 : i32
      %dma_wait3A_35 = tpu.memref_slice %arg8[%dma_wait3A] : memref<32768xf32, #tpu.memory_space<vmem>> -> memref<128xf32, #tpu.memory_space<vmem>>
      %dma_wait3A_36 = arith.constant 0 : i32
      %dma_wait3A_37 = tpu.memref_slice %arg7[%dma_wait3A_36] : memref<32768xi32, #tpu.memory_space<vmem>> -> memref<128xi32, #tpu.memory_space<vmem>>
      %dma_wait3A_38 = arith.constant 0 : i32
      %dma_wait3A_39 = tpu.memref_slice %arg3[%dma_wait3A_38] : memref<1011200xf32, #tpu.memory_space<hbm>> -> memref<1011200xf32, #tpu.memory_space<hbm>>
      tpu.wait_indirect_dma semaphore(%arg11 : memref<!tpu.dma_semaphore, #tpu.memory_space<semaphore_mem>>) src(%dma_wait3A_39 : memref<1011200xf32, #tpu.memory_space<hbm>>) dst(%dma_wait3A_35 : memref<128xf32, #tpu.memory_space<vmem>>)
      %dma_wait3A_40 = arith.constant 0 : i32
      %dma_wait3A_41 = tpu.memref_slice %arg9[%dma_wait3A_40] : memref<32768xf32, #tpu.memory_space<vmem>> -> memref<128xf32, #tpu.memory_space<vmem>>
      %dma_wait3A_42 = arith.constant 0 : i32
      %dma_wait3A_43 = tpu.memref_slice %arg7[%dma_wait3A_42] : memref<32768xi32, #tpu.memory_space<vmem>> -> memref<128xi32, #tpu.memory_space<vmem>>
      %dma_wait3A_44 = arith.constant 0 : i32
      %dma_wait3A_45 = tpu.memref_slice %arg4[%dma_wait3A_44] : memref<1011200xf32, #tpu.memory_space<hbm>> -> memref<1011200xf32, #tpu.memory_space<hbm>>
      tpu.wait_indirect_dma semaphore(%arg11 : memref<!tpu.dma_semaphore, #tpu.memory_space<semaphore_mem>>) src(%dma_wait3A_45 : memref<1011200xf32, #tpu.memory_space<hbm>>) dst(%dma_wait3A_41 : memref<128xf32, #tpu.memory_space<vmem>>)
    }
    %scan3A_29 = arith.constant 8 : i32
    %mul3A_30 = arith.constant 32768 : i32
    %mul3A_31 = arith.muli %add3A, %mul3A_30 : i32
    "tpu.region"() ({
      %run_scoped3A = tpu.sem_alloc : memref<!tpu.dma_semaphore, #tpu.memory_space<semaphore_mem>>
      %dma_start3A = tpu.memref_slice %arg5[%mul3A_31] : memref<1048576xf32, #tpu.memory_space<hbm>> -> memref<32768xf32, #tpu.memory_space<hbm>>
      %dma_start3A_34 = tpu.memref_slice %arg5[%mul3A_31] : memref<1048576xf32, #tpu.memory_space<hbm>> -> memref<32768xf32, #tpu.memory_space<hbm>>
      tpu.enqueue_dma source(%arg8 : memref<32768xf32, #tpu.memory_space<vmem>>) target(%dma_start3A_34 : memref<32768xf32, #tpu.memory_space<hbm>>) target_semaphore(%run_scoped3A : memref<!tpu.dma_semaphore, #tpu.memory_space<semaphore_mem>>)
      %dma_wait3A = tpu.memref_slice %arg5[%mul3A_31] : memref<1048576xf32, #tpu.memory_space<hbm>> -> memref<32768xf32, #tpu.memory_space<hbm>>
      %dma_wait3A_35 = tpu.memref_slice %arg5[%mul3A_31] : memref<1048576xf32, #tpu.memory_space<hbm>> -> memref<32768xf32, #tpu.memory_space<hbm>>
      tpu.wait_dma2 semaphore(%run_scoped3A : memref<!tpu.dma_semaphore, #tpu.memory_space<semaphore_mem>>) src(%arg8 : memref<32768xf32, #tpu.memory_space<vmem>>) dst(%dma_wait3A_35 : memref<32768xf32, #tpu.memory_space<hbm>>)
      tpu.yield
    }) : () -> ()
    %mul3A_32 = arith.constant 32768 : i32
    %mul3A_33 = arith.muli %add3A, %mul3A_32 : i32
    "tpu.region"() ({
      %run_scoped3A = tpu.sem_alloc : memref<!tpu.dma_semaphore, #tpu.memory_space<semaphore_mem>>
      %dma_start3A = tpu.memref_slice %arg6[%mul3A_33] : memref<1048576xf32, #tpu.memory_space<hbm>> -> memref<32768xf32, #tpu.memory_space<hbm>>
      %dma_start3A_34 = tpu.memref_slice %arg6[%mul3A_33] : memref<1048576xf32, #tpu.memory_space<hbm>> -> memref<32768xf32, #tpu.memory_space<hbm>>
      tpu.enqueue_dma source(%arg9 : memref<32768xf32, #tpu.memory_space<vmem>>) target(%dma_start3A_34 : memref<32768xf32, #tpu.memory_space<hbm>>) target_semaphore(%run_scoped3A : memref<!tpu.dma_semaphore, #tpu.memory_space<semaphore_mem>>)
      %dma_wait3A = tpu.memref_slice %arg6[%mul3A_33] : memref<1048576xf32, #tpu.memory_space<hbm>> -> memref<32768xf32, #tpu.memory_space<hbm>>
      %dma_wait3A_35 = tpu.memref_slice %arg6[%mul3A_33] : memref<1048576xf32, #tpu.memory_space<hbm>> -> memref<32768xf32, #tpu.memory_space<hbm>>
      tpu.wait_dma2 semaphore(%run_scoped3A : memref<!tpu.dma_semaphore, #tpu.memory_space<semaphore_mem>>) src(%arg9 : memref<32768xf32, #tpu.memory_space<vmem>>) dst(%dma_wait3A_35 : memref<32768xf32, #tpu.memory_space<hbm>>)
      tpu.yield
    }) : () -> ()
    return
  }
}

module attributes {stable_mosaic.version = 14 : i64} {
  func.func @_mlp_body(%arg0: i32, %arg1: memref<12800x64xf32, #tpu.memory_space<vmem>>, %arg2: memref<64x32xf32, #tpu.memory_space<vmem>>, %arg3: memref<1x32xf32, #tpu.memory_space<vmem>>, %arg4: memref<32x2xf32, #tpu.memory_space<vmem>>, %arg5: memref<1x2xf32, #tpu.memory_space<vmem>>, %arg6: memref<2x12800xf32, #tpu.memory_space<vmem>>) attributes {dimension_semantics = [#tpu.dimension_semantics<arbitrary>], iteration_bounds = array<i64: 79>, scalar_prefetch = 0 : i64, scratch_operands = 0 : i64, tpu.core_type = #tpu.core_type<tc>, window_params = [{transform_indices = @transform_0, window_bounds = array<i64: 12800, 64>}, {pipeline_mode = #tpu.pipeline_mode<synchronous>, transform_indices = @transform_1, window_bounds = array<i64: 64, 32>}, {pipeline_mode = #tpu.pipeline_mode<synchronous>, transform_indices = @transform_2, window_bounds = array<i64: 1, 32>}, {pipeline_mode = #tpu.pipeline_mode<synchronous>, transform_indices = @transform_3, window_bounds = array<i64: 32, 2>}, {pipeline_mode = #tpu.pipeline_mode<synchronous>, transform_indices = @transform_4, window_bounds = array<i64: 1, 2>}, {transform_indices = @transform_5, window_bounds = array<i64: 2, 12800>}]} {
    %get3A = arith.constant 0 : index
    %get3A_0 = arith.constant 0 : index
    %get3A_1 = vector.load %arg1[%get3A, %get3A_0] : memref<12800x64xf32, #tpu.memory_space<vmem>>, vector<12800x64xf32>
    %get3A_2 = arith.constant 0 : index
    %get3A_3 = arith.constant 0 : index
    %get3A_4 = vector.load %arg2[%get3A_2, %get3A_3] : memref<64x32xf32, #tpu.memory_space<vmem>>, vector<64x32xf32>
    %dot_general3A = arith.constant dense<0.000000e+00> : vector<12800x32xf32>
    %dot_general3A_5 = tpu.matmul %get3A_1, %get3A_4, %dot_general3A {dimension_numbers = #tpu.dot_dimension_numbers<[1], [0], [0], [1], [0, 0, 1, 1], [], []>, transpose_lhs_hint = false} : vector<12800x64xf32>, vector<64x32xf32>, vector<12800x32xf32> -> vector<12800x32xf32>
    %get3A_6 = arith.constant 0 : index
    %get3A_7 = arith.constant 0 : index
    %get3A_8 = vector.load %arg3[%get3A_6, %get3A_7] : memref<1x32xf32, #tpu.memory_space<vmem>>, vector<1x32xf32>
    %add3A = vector.broadcast %get3A_8 : vector<1x32xf32> to vector<12800x32xf32>
    %add3A_9 = arith.addf %dot_general3A_5, %add3A : vector<12800x32xf32>
    %max3A = arith.constant 0.000000e+00 : f32
    %max3A_10 = vector.broadcast %max3A : f32 to vector<12800x32xf32>
    %max3A_11 = arith.maximumf %add3A_9, %max3A_10 : vector<12800x32xf32>
    %get3A_12 = arith.constant 0 : index
    %get3A_13 = arith.constant 0 : index
    %get3A_14 = vector.load %arg4[%get3A_12, %get3A_13] : memref<32x2xf32, #tpu.memory_space<vmem>>, vector<32x2xf32>
    %dot_general3A_15 = arith.constant dense<0.000000e+00> : vector<12800x2xf32>
    %dot_general3A_16 = tpu.matmul %max3A_11, %get3A_14, %dot_general3A_15 {dimension_numbers = #tpu.dot_dimension_numbers<[1], [0], [0], [1], [0, 0, 1, 1], [], []>, transpose_lhs_hint = false} : vector<12800x32xf32>, vector<32x2xf32>, vector<12800x2xf32> -> vector<12800x2xf32>
    %get3A_17 = arith.constant 0 : index
    %get3A_18 = arith.constant 0 : index
    %get3A_19 = vector.load %arg5[%get3A_17, %get3A_18] : memref<1x2xf32, #tpu.memory_space<vmem>>, vector<1x2xf32>
    %add3A_20 = vector.broadcast %get3A_19 : vector<1x2xf32> to vector<12800x2xf32>
    %add3A_21 = arith.addf %dot_general3A_16, %add3A_20 : vector<12800x2xf32>
    %max3A_22 = arith.constant 0.000000e+00 : f32
    %max3A_23 = vector.broadcast %max3A_22 : f32 to vector<12800x2xf32>
    %max3A_24 = arith.maximumf %add3A_21, %max3A_23 : vector<12800x2xf32>
    %mul3A = arith.constant 12800 : i32
    %mul3A_25 = arith.muli %arg0, %mul3A : i32
    %iota3A = tpu.iota {dimensions = array<i32: 1>} : vector<1x12800xi32>
    %add3A_26 = vector.broadcast %mul3A_25 : i32 to vector<1x12800xi32>
    %add3A_27 = arith.addi %add3A_26, %iota3A : vector<1x12800xi32>
    %lt3A = arith.constant 1000000 : i32
    %lt3A_28 = vector.broadcast %lt3A : i32 to vector<1x12800xi32>
    %lt3A_29 = arith.cmpi slt, %add3A_27, %lt3A_28 : vector<1x12800xi32>
    %transpose3A = tpu.transpose %max3A_24, [1, 0] : vector<12800x2xf32> -> vector<2x12800xf32>
    %jit3A = arith.constant 0.000000e+00 : f32
    %broadcast_in_dim3A = vector.shape_cast %lt3A_29 : vector<1x12800xi1> to vector<1x12800xi1>
    %broadcast_in_dim3A_30 = vector.broadcast %broadcast_in_dim3A : vector<1x12800xi1> to vector<2x12800xi1>
    %broadcast_in_dim3A_31 = vector.broadcast %jit3A : f32 to vector<2x12800xf32>
    %select_n3A = arith.select %broadcast_in_dim3A_30, %transpose3A, %broadcast_in_dim3A_31 : vector<2x12800xi1>, vector<2x12800xf32>
    %swap3A = arith.constant 0 : index
    %swap3A_32 = arith.constant 0 : index
    %swap3A_33 = vector.load %arg6[%swap3A, %swap3A_32] : memref<2x12800xf32, #tpu.memory_space<vmem>>, vector<2x12800xf32>
    tpu.vector_store %arg6[%swap3A, %swap3A_32], %select_n3A {strides = array<i32>} : memref<2x12800xf32, #tpu.memory_space<vmem>>, vector<2x12800xf32>,
    return
  }
  func.func @transform_0(%arg0: i32) -> (i32, i32) {
    %c0_i32 = arith.constant 0 : i32
    %c0_i32_0 = arith.constant 0 : i32
    return %arg0, %c0_i32 : i32, i32
  }
  func.func @transform_1(%arg0: i32) -> (i32, i32) {
    %c0_i32 = arith.constant 0 : i32
    %c0_i32_0 = arith.constant 0 : i32
    %c0_i32_1 = arith.constant 0 : i32
    return %c0_i32, %c0_i32_0 : i32, i32
  }
  func.func @transform_2(%arg0: i32) -> (i32, i32) {
    %c0_i32 = arith.constant 0 : i32
    %c0_i32_0 = arith.constant 0 : i32
    %c0_i32_1 = arith.constant 0 : i32
    return %c0_i32, %c0_i32_0 : i32, i32
  }
  func.func @transform_3(%arg0: i32) -> (i32, i32) {
    %c0_i32 = arith.constant 0 : i32
    %c0_i32_0 = arith.constant 0 : i32
    %c0_i32_1 = arith.constant 0 : i32
    return %c0_i32, %c0_i32_0 : i32, i32
  }
  func.func @transform_4(%arg0: i32) -> (i32, i32) {
    %c0_i32 = arith.constant 0 : i32
    %c0_i32_0 = arith.constant 0 : i32
    %c0_i32_1 = arith.constant 0 : i32
    return %c0_i32, %c0_i32_0 : i32, i32
  }
  func.func @transform_5(%arg0: i32) -> (i32, i32) {
    %c0_i32 = arith.constant 0 : i32
    %c0_i32_0 = arith.constant 0 : i32
    return %c0_i32, %arg0 : i32, i32
  }
}

module attributes {stable_mosaic.version = 14 : i64} {
  func.func @_cells_body(%arg0: i32, %arg1: memref<1960x16xi32, #tpu.memory_space<vmem>>, %arg2: memref<1960x16xi32, #tpu.memory_space<vmem>>, %arg3: memref<1960x16xi32, #tpu.memory_space<vmem>>, %arg4: memref<1960x16xi32, #tpu.memory_space<vmem>>) attributes {dimension_semantics = [#tpu.dimension_semantics<arbitrary>], iteration_bounds = array<i64: 32>, scalar_prefetch = 0 : i64, scratch_operands = 0 : i64, tpu.core_type = #tpu.core_type<tc>, window_params = [{transform_indices = @transform_0, window_bounds = array<i64: 1960, 16>}, {transform_indices = @transform_1, window_bounds = array<i64: 1960, 16>}, {transform_indices = @transform_2, window_bounds = array<i64: 1960, 16>}, {transform_indices = @transform_3, window_bounds = array<i64: 1960, 16>}]} {
    %mul3A = arith.constant 1960 : i32
    %mul3A_0 = arith.muli %arg0, %mul3A : i32
    %iota3A = tpu.iota {dimensions = array<i32: 0>} : vector<1960x16xi32>
    %add3A = vector.broadcast %mul3A_0 : i32 to vector<1960x16xi32>
    %add3A_1 = arith.addi %add3A, %iota3A : vector<1960x16xi32>
    %lt3A = arith.constant 62500 : i32
    %lt3A_2 = vector.broadcast %lt3A : i32 to vector<1960x16xi32>
    %lt3A_3 = arith.cmpi slt, %add3A_1, %lt3A_2 : vector<1960x16xi32>
    %get3A = arith.constant 0 : index
    %get3A_4 = arith.constant 0 : index
    %get3A_5 = vector.load %arg1[%get3A, %get3A_4] : memref<1960x16xi32, #tpu.memory_space<vmem>>, vector<1960x16xi32>
    %mul3A_6 = arith.constant 512 : i32
    %mul3A_7 = vector.broadcast %mul3A_6 : i32 to vector<1960x16xi32>
    %mul3A_8 = arith.muli %get3A_5, %mul3A_7 : vector<1960x16xi32>
    %get3A_9 = arith.constant 0 : index
    %get3A_10 = arith.constant 0 : index
    %get3A_11 = vector.load %arg2[%get3A_9, %get3A_10] : memref<1960x16xi32, #tpu.memory_space<vmem>>, vector<1960x16xi32>
    %add3A_12 = arith.addi %mul3A_8, %get3A_11 : vector<1960x16xi32>
    %mul3A_13 = arith.constant 512 : i32
    %mul3A_14 = vector.broadcast %mul3A_13 : i32 to vector<1960x16xi32>
    %mul3A_15 = arith.muli %add3A_12, %mul3A_14 : vector<1960x16xi32>
    %get3A_16 = arith.constant 0 : index
    %get3A_17 = arith.constant 0 : index
    %get3A_18 = vector.load %arg3[%get3A_16, %get3A_17] : memref<1960x16xi32, #tpu.memory_space<vmem>>, vector<1960x16xi32>
    %add3A_19 = arith.addi %mul3A_15, %get3A_18 : vector<1960x16xi32>
    %jit3A = arith.constant 1048576 : i32
    %broadcast_in_dim3A = vector.broadcast %jit3A : i32 to vector<1960x16xi32>
    %select_n3A = arith.select %lt3A_3, %add3A_19, %broadcast_in_dim3A : vector<1960x16xi1>, vector<1960x16xi32>
    %swap3A = arith.constant 0 : index
    %swap3A_20 = arith.constant 0 : index
    %swap3A_21 = vector.load %arg4[%swap3A, %swap3A_20] : memref<1960x16xi32, #tpu.memory_space<vmem>>, vector<1960x16xi32>
    tpu.vector_store %arg4[%swap3A, %swap3A_20], %select_n3A {strides = array<i32>} : memref<1960x16xi32, #tpu.memory_space<vmem>>, vector<1960x16xi32>,
    return
  }
  func.func @transform_0(%arg0: i32) -> (i32, i32) {
    %c0_i32 = arith.constant 0 : i32
    %c0_i32_0 = arith.constant 0 : i32
    return %arg0, %c0_i32 : i32, i32
  }
  func.func @transform_1(%arg0: i32) -> (i32, i32) {
    %c0_i32 = arith.constant 0 : i32
    %c0_i32_0 = arith.constant 0 : i32
    return %arg0, %c0_i32 : i32, i32
  }
  func.func @transform_2(%arg0: i32) -> (i32, i32) {
    %c0_i32 = arith.constant 0 : i32
    %c0_i32_0 = arith.constant 0 : i32
    return %arg0, %c0_i32 : i32, i32
  }
  func.func @transform_3(%arg0: i32) -> (i32, i32) {
    %c0_i32 = arith.constant 0 : i32
    %c0_i32_0 = arith.constant 0 : i32
    return %arg0, %c0_i32 : i32, i32
  }
}

</mosaic_0001>

<sc_bundles>
// kernel: kernel.5.cloned.1.call-start
scs
__scs_entry_jumppad:
0x0: {  	(pc) =	sbr.rel $0x88, $3  }
0x1: {  	(tag) =	ssettag $0x0;
	lr =	simm.s32 $0x1  }
0x2: {  	[smem:$0x3F99] =	sst lr;
	_ =	strace $0xD0000000  }
0x3: {  	_ = 	snop  }
0x4: {  	_ = 	snop  }
0x5: {  	_ = 	snop  }
0x6: {  	_ = 	snop  }
0x7: {  	_ = 	snop  }
__scs_overlays_trampoline_lowered:
0x8: {  	[smem:$0x3FA8] =	sst s0  }
0x9: {  	[smem:$0x3FA9] =	sst s1  }
0xa: {  	[smem:$0x3FAA] =	sst s2  }
0xb: {  	[smem:$0x3FAB] =	sst s3  }
0xc: {  	[smem:$0x3FAC] =	sst s4  }
0xd: {  	[smem:$0x3FAD] =	sst s5  }
0xe: {  	[smem:$0x3FAE] =	sst s6  }
0xf: {  	[smem:$0x3FAF] =	sst s7  }
0x10: {  	[smem:$0x3FB0] =	sst s8  }
0x11: {  	[smem:$0x3FB1] =	sst s9;
	s0 =	simm.s32 @!p0 $0x0  }
0x12: {  	s1 =	sld [smem:$0x3F97];
	s0 =	simm.s32 @p0 $0x1  }
0x13: {  	[smem:$0x3FB2] =	sst s0;
	s0 =	simm.s32 @!p1 $0x0  }
0x14: {  	s2 =	sld [smem:$0x3F96];
	s0 =	simm.s32 @p1 $0x1  }
0x15: {  	[smem:$0x3FB3] =	sst s0;
	s0 =	simm.s32 @!p2 $0x0  }
0x16: {  	s3 =	sld [smem:$0x3FDB];
	s0 =	simm.s32 @p2 $0x1  }
0x17: {  	s4 =	simm.s32 $0x1BF5;
	[smem:$0x3FB5] =	sst s0  }
0x18: {  	s0 =	sld [smem:$0x3F98];
	_ =	swait.ge [sflag:s4], $0x0  }
0x19: {  	s7 =	sld [smem:$0x3F99]  }
0x1a: {  	s8 =	sadd.s32 $0xFFFFE003, lr  }
0x1b: {  	s9 =	sadd.s32 $0xFFFFFEF7, lr;
	s5 =	simm.s32 $0xFFFFFFFF;
	p2 =	slt.u32 s8, $0xFFFFF086  }
0x1c: {  	p1 =	slt.u32 s9, $0xF7A;
	s5 =	simm.s32 @!p2 $0x0  }
0x1d: {  	s5 =	simm.s32 @p1 $0x1;
	p0 =	seq.s32 s7, s2  }
0x1e: {  	s7 =	smul.u32 @!p0 $0xF7A, s2;
	p2 =	seq.s32 @!p0 s5, $0x0  }
0x1f: {  	s9 =	smul.u32 $0xF7A, s1;
	s8 =	simm.s32 @!p0 $0x1BF5;
	p2 =	por !p2, p0  }
0x20: {  	[sflag:s8] =	ssyncset.s32 @!p0 $0xFFFFF086;
	s6 =	sadd.s32 @!p0 s3, s7;
	s7 =	simm.s32 @!p0 $0x108  }
0x21: {  	s3 =	sadd.s32 s3, s9;
	s6 =	sadd.s32 @!p0 $0x88, s6;
	s7 =	simm.s32 @p2 $0x1082  }
0x22: {  	[simem:s7], [sflag:s8] =	dma.local @!p0 [hbm:s6], $0xF7A  }
0x23: {  	s9 =	sor.u32 $0xD0000000, s2;
	s6 =	simm.s32 $0x108;
	_ =	swait.ge @!p0 [sflag:s8], $0x0  }
0x24: {  	s3 =	sadd.s32 $0x88, s3;
	s6 =	simm.s32 @!p1 $0x1082;
	[sflag:s4] =	ssyncset.s32 $0xFFFFF086  }
0x25: {  	[simem:s6], [sflag:s4] =	dma.local [hbm:s3], $0xF7A  }
0x26: {  	[smem:$0x3F99] =	sst s1;
	(tag) =	ssettag s2;
	_ =	strace s9  }
0x27: {  	s1 =	sld [smem:$0x3FA9]  }
0x28: {  	s2 =	sld [smem:$0x3FAA]  }
0x29: {  	s4 =	sld [smem:$0x3FAC]  }
0x2a: {  	p0 =	seq.s32 s5, $0x0;
	s5 =	sld [smem:$0x3FAD]  }
0x2b: {  	s6 =	sld [smem:$0x3FAE]  }
0x2c: {  	s7 =	sld [smem:$0x3FAF]  }
0x2d: {  	s3 =	simm.s32 $0x108;
	s8 =	sld [smem:$0x3FB0]  }
0x2e: {  	s3 =	simm.s32 @!p0 $0x1082;
	s9 =	sld [smem:$0x3FB1]  }
0x2f: {  	lr =	sadd.s32 s0, s3;
	s0 =	sld [smem:$0x3FA8]  }
0x30: {  	s3 =	sld [smem:$0x3FAB]  }
0x31: {  	[smem:$0x3FB4] =	sst s10  }
0x32: {  	s10 =	sld [smem:$0x3FB2];
	_ =	sdelay $0x3  }
0x33: {  	p0 =	seq.s32 s10, $0x1;
	s10 =	sld [smem:$0x3FB4];
	_ =	sdelay $0x3  }
0x34: {  	[smem:$0x3FB4] =	sst s10  }
0x35: {  	s10 =	sld [smem:$0x3FB3];
	_ =	sdelay $0x3  }
0x36: {  	p1 =	seq.s32 s10, $0x1;
	s10 =	sld [smem:$0x3FB4];
	_ =	sdelay $0x3  }
0x37: {  	[smem:$0x3FB4] =	sst s10  }
0x38: {  	s10 =	sld [smem:$0x3FB5]  }
0x39: {  	_ = 	snop;
	(pc) =	sbr.ind lr, $3  }
0x3a: {  	_ = 	snop  }
0x3b: {  	_ = 	snop  }
0x3c: {  	p2 =	seq.s32 s10, $0x1;
	s10 =	sld [smem:$0x3FB4]  }
0x3d: {  	_ =	shalt  }
0x3e: {  	_ =	shalt  }
0x3f: {  	_ =	shalt  }
0x40: {  	_ =	shalt  }
0x41: {  	_ =	shalt  }
0x42: {  	_ =	shalt  }
0x43: {  	_ =	shalt  }
0x44: {  	_ =	shalt  }
0x45: {  	_ =	shalt  }
0x46: {  	_ =	shalt  }
0x47: {  	_ =	shalt  }
0x48: {  	_ =	shalt  }
0x49: {  	_ =	shalt  }
0x4a: {  	_ =	shalt  }
0x4b: {  	_ =	shalt  }
0x4c: {  	_ =	shalt  }
0x4d: {  	_ =	shalt  }
0x4e: {  	_ =	shalt  }
0x4f: {  	_ =	shalt  }
0x50: {  	_ =	shalt  }
0x51: {  	_ =	shalt  }
0x52: {  	_ =	shalt  }
0x53: {  	_ =	shalt  }
0x54: {  	_ =	shalt  }
0x55: {  	_ =	shalt  }
0x56: {  	_ =	shalt  }
0x57: {  	_ =	shalt  }
0x58: {  	_ =	shalt  }
0x59: {  	_ =	shalt  }
0x5a: {  	_ =	shalt  }
0x5b: {  	_ =	shalt  }
0x5c: {  	_ =	shalt  }
0x5d: {  	_ =	shalt  }
0x5e: {  	_ =	shalt  }
0x5f: {  	_ =	shalt  }
0x60: {  	_ =	shalt  }
0x61: {  	_ =	shalt  }
0x62: {  	_ =	shalt  }
0x63: {  	_ =	shalt  }
0x64: {  	_ =	shalt  }
0x65: {  	_ =	shalt  }
0x66: {  	_ =	shalt  }
0x67: {  	_ =	shalt  }
0x68: {  	_ =	shalt  }
0x69: {  	_ =	shalt  }
0x6a: {  	_ =	shalt  }
0x6b: {  	_ =	shalt  }
0x6c: {  	_ =	shalt  }
0x6d: {  	_ =	shalt  }
0x6e: {  	_ =	shalt  }
0x6f: {  	_ =	shalt  }
0x70: {  	_ =	shalt  }
0x71: {  	_ =	shalt  }
0x72: {  	_ =	shalt  }
0x73: {  	_ =	shalt  }
0x74: {  	_ =	shalt  }
0x75: {  	_ =	shalt  }
0x76: {  	_ =	shalt  }
0x77: {  	_ =	shalt  }
0x78: {  	_ =	shalt  }
0x79: {  	_ =	shalt  }
0x7a: {  	_ =	shalt  }
0x7b: {  	_ =	shalt  }
0x7c: {  	_ =	shalt  }
0x7d: {  	_ =	shalt  }
0x7e: {  	_ =	shalt  }
0x7f: {  	_ =	shalt  }
0x80: {  	_ =	shalt  }
0x81: {  	_ =	shalt  }
0x82: {  	_ =	shalt  }
0x83: {  	_ =	shalt  }
0x84: {  	_ =	shalt  }
0x85: {  	_ =	shalt  }
0x86: {  	_ =	shalt  }
0x87: {  	_ =	shalt  }
.Lfunc_end0:
.L_simem_size_0:
called_computation_lowered:
.L_overlay_start_0:
0x88: {  	s2 =	sld [smem:$0x3FD9]  }
0x89: {  	s3 =	sld [smem:$0x3FFE];
	_ =	sdelay $0x1  }
0x8a: {  	s1 =	srdreg.scid  }
0x8b: {  	s0 =	sand.u32 $0x1, s1  }
0x8c: {  	s17 =	sshll.u32 s0, $0xA;
	s2 =	sadd.s32 s3, s2  }
0x8d: {  	s2 =	sadd.s32 s2, s17  }
0x8e: {  	[smem:$0x3FC0] =	sst s2  }
0x8f: {  	_ = 	snop  }
0x90: {  	s2 =	sld [smem:$0x3FD0];
	(tm) =	ssettm $0x1  }
0x91: {  	s18 =	sld [smem:$0x3FFB];
	_ =	sdelay $0x3  }
0x92: {  	_ =	strace s18  }
0x93: {  	s3 =	sld [smem:$0x3FFC];
	_ =	sdelay $0x3  }
0x94: {  	_ =	strace s3  }
0x95: {  	s3 =	sld [smem:$0x3FFD];
	_ =	sdelay $0x3  }
0x96: {  	_ =	strace s3  }
0x97: {  	_ =	strace $0x8FFFFFFF  }
0x98: {  	s19 =	sld [smem:$0x3FDB];
	_ =	sdelay $0x1  }
0x99: {  	s4 =	simm.s32 $_scs_section_size  }
0x9a: {  	s5 =	simm.s32 $_size__tile_overlayer_lowered;
	s6 =	simm.s32 $_tile_overlayer_lowered  }
0x9b: {  	s22 =	simm.s32 $0x1BFF;
	s21 =	sshll.u32 s6, $0x1;
	s3 =	sadd.s32 s4, s19  }
0x9c: {  	s7 =	simm.s32 $0x0;
	s20 =	sshll.u32 s5, $0x1;
	s5 =	sadd.s32 s21, s3  }
0x9d: {  	[timem:s7], [sflag:s22] =	dma.local [hbm:s5], s20  }
0x9e: {  	_ =	swait.ge [sflag:s22], s20  }
0x9f: {  	s4 =	ssub.s32 $0x0, s20;
	[sflag:s22] =	ssyncset.done $0x0  }
0xa0: {  	[sflag:s22] =	ssyncadd.s32 s4;
	_ =	sdelay $0x1  }
0xa1: {  	s23 =	simm.s32 $0x1B8B  }
0xa2: {  	_ =	swait.ge [sflag:s23], $0x1  }
0xa3: {  	[sflag:s23] =	ssyncset.done $0x0  }
0xa4: {  	s25 =	simm.s32 $0x1B8E;
	s24 =	sld [smem:$0x3FFE];
	[sflag:s23] =	ssyncadd.s32 $0xFFFFFFFF  }
0xa5: {  	s26 =	simm.s32 $execute0_lowered;
	[smem:$0x3FD2] =	sst s25  }
0xa6: {  	s5 =	sshll.u32 s26, $0x1;
	_ =	strace $0x80000046;
	[dreg:$0x1] =	wrdreg $0xFFFFFFFF  }
0xa7: {  	s28 =	simm.s32 $_size_execute0_lowered;
	s3 =	sadd.s32 s3, s5;
	[dreg:$0x0] =	wrdreg $0x0  }
0xa8: {  	s5 =	sshll.u32 s28, $0x1;
	[dreg:$0x2] =	wrdreg s3  }
0xa9: {  	[dreg:$0x3] =	wrdreg s5  }
0xaa: {  	[dreg:$0x4] =	wrdreg $0xC0  }
0xab: {  	_ =	task [dreg:s7], $0x5FFFF  }
0xac: {  	[dreg:$0x1] =	wrdreg $0xFFFFFFFF  }
0xad: {  	[dreg:$0x0] =	wrdreg $0x60  }
0xae: {  	[dreg:$0x2] =	wrdreg s24  }
0xaf: {  	[dreg:$0x3] =	wrdreg s2  }
0xb0: {  	[dreg:$0x4] =	wrdreg $0x9  }
0xb1: {  	_ =	task.clear_ibuf [dreg:s7], $0x5FFFF;
	_ =	strace $0x90000046  }
0xb2: {  	s29 =	simm.s32 $0x9;
	_ =	strace $0x80000048  }
0xb3: {  	_ =	swait.ge [sflag:s29], $0x1  }
0xb4: {  	[sflag:s29] =	ssyncadd.s32 $0xFFFFFFFF  }
0xb5: {  	_ =	strace $0x90000048  }
0xb6: {  	_ =	sfence  }
0xb7: {  	s30 =	sld [smem:$0x0];
	_ =	sdelay $0x2  }
0xb8: {  	s31 =	sshll.u32 s1, $0xD;
	s1 =	sshrl.u32 s1, $0x2  }
0xb9: {  	s3 =	sand.u32 $0x4000, s31;
	s1 =	sadd.s32 s1, s30  }
0xba: {  	s0 =	sor.u32 s3, s0;
	s1 =	sshll.u32 s1, $0x11  }
0xbb: {  	s0 =	sor.u32 s1, s0  }
0xbc: {  	s0 =	sadd.s32 $0x8F2B, s0  }
0xbd: {  	[sflag:s0] =	ssyncadd.remote.s32 $0x1  }
0xbe: {  	_ =	sfence.sel $0xFFFF  }
0xbf: {  	[dreg:$0x0] =	wrdreg $0xFFFFFFFF;
	(pc) =	sbr.abs _section_cstart, $3  }
0xc0: {  	[dreg:$0x1] =	wrdreg $0xFFFFFFFF  }
0xc1: {  	_ =	task.clear_ibuf [dreg:s7], $0x2FFFF;
	_ =	strace $0x9FFFFFFF  }
0xc2: {  	(tm) =	ssettm $0x7FFFFFFF  }
0xc3: {  	_ =	shalt  }
tec
execute0_lowered:
.L_overlay_start_1:
0x0: {  	(tag) =	ssettag $0x1  }
0x1: {  	s5 =	rddreg [dreg:$0x0]  }
0x2: {  	s2 =	rddreg [dreg:$0x1]  }
0x3: {  	s0 =	rddreg [dreg:$0x2];
	s4 =	srdreg.scid  }
0x4: {  	s1 =	stileid.u32;
	s3 =	simm.s32 $0x0;
	s10 =	simm.s32 $0x2  }
0x5: {  	s11 =	simm.s32 $0x80;
	s12 =	simm.s32 $0x1;
	s14 =	simm.s32 $0x10000  }
0x6: {  	s4 =	sand.u32 $0x1, s4;
	s6 =	sshll.u32 s1, $0x1;
	[smem:$0x7FF] =	sst s3  }
0x7: {  	s15 =	simm.s32 $0x0;
	s13 =	sor.u32 s4, s6;
	_ =	strace $0x80000047  }
0x8: {  	s7 =	ssub.s32 $0x2, s4;
	s4 =	sadd.s32 $0x1FC00, s5;
	s6 =	sshll.u32 s13, $0xC  }
0x9: {  	s31 =	sshrl.u32 s7, $0x1;
	v0 =	vmov s13;
	s13 =	simm.s32 $0x8000;
	s8 =	sadd.s32 s6, s5  }
0xa: {  	s5 =	sadd.s32 $0xE00, s5;
	s9 =	ssub.s32 s7, s31;
	s6 =	sadd.s32 $0x3E600, s8  }
0xb: {  	v1 =	vimm.s32 $0xFFFFFFFF;
	v2 =	vlaneseq.u32;
	s7 =	sadd.s32 $0x5E600, s8;
	s8 =	smax.u32 s9, $0x1;
	s9 =	simm.s32 $0x18000  }
.LBB2_1:
0xc: {  	s16 =	simm.s32 $0x40;
	s17 =	simm.s32 $0x0  }
.LBB2_2:
0xd: {  	p0 =	sne.s32 s16, $0x1FFC0;
	[tilespmem:s17+$0x0] =	vst v1;
	s17 =	smov.u32 s16;
	s16 =	sadd.s32 $0x40, s16  }
.Ltmp0:
0xe: {  	(pc) =	sbr.rel @p0 .LBB2_2-.Ltmp0, $2  }
0xf: {  	_ =	sdelay $0x2  }
0x10: {  	s17 =	sshra.s32 s17, $0x2  }
0x11: {  	[tilespmem:s17+$0x0] =	vst v1;
	s16 =	simm.s32 $0x0;
	s17 =	simm.s32 $0x0;
	s18 =	simm.s32 $0x0  }
.LBB2_4:
0x12: {  	s19 =	smul.u32 $0x3D40, s18;
	_ =	sdelay $0x1  }
0x13: {  	s19 =	sshrl.u32 s19, $0x3  }
0x14: {  	s19 =	sadd.s32 s4, s19  }
0x15: {  	[tilespmem:s9], [sflag:$0x2] =	stream.linear.gather [hbm4b:s19+s16], $0x3D40, $0x38;
	[tilespmem:$0x1BD80] =	vst v63  }
0x16: {  	_ =	swait.ge [sflag:s10], $0x3D40  }
0x17: {  	[sflag:s10] =	ssyncset.done $0x0  }
0x18: {  	s20 =	simm.s32 $0x0;
	s19 =	simm.s32 $0x18020;
	[sflag:s10] =	ssyncadd.s32 $0xFFFFC2C0  }
.LBB2_5:
0x19: {  	v3 =	vld [tilespmem:s19+$0xFFFFFFE0];
	_ =	sdelay $0x4  }
0x1a: {  	v4 =	vand.u32 $0x7FFF, v3;
	_ =	sdelay $0x4  }
0x1b: {  	v5 =	vld.idx.msk [tilespmem:v4+s3+$0x0], $0xffff;
	_ =	sdelay $0x2  }
0x1c: {  	s21 =	sadd.s32 s20, s17  }
0x1d: {  	v6 =	vor.u32 s21, v2;
	v3 =	vshrl.u32 v3, $0xF  }
0x1e: {  	vm0 =	veq.s32 v3, v0;
	vm1 =	vgt.s32 v6, v5  }
0x1f: {  	vm0 =	vmand vm0, vm1;
	_ =	sdelay $0x5  }
0x20: {  	[tilespmem:v4+s3+$0x0] =	vst.idx.msk vm0, v6  }
0x21: {  	v3 =	vld [tilespmem:s19+$0xFFFFFFF0];
	_ =	sdelay $0x4  }
0x22: {  	v55 =	vand.u32 $0x7FFF, v3;
	_ =	sdelay $0x4  }
0x23: {  	v56 =	vld.idx.msk [tilespmem:v55+s3+$0x0], $0xffff;
	_ =	sdelay $0x2  }
0x24: {  	s22 =	sadd.s32 $0x10, s21  }
0x25: {  	v57 =	vor.u32 s22, v2;
	v3 =	vshrl.u32 v3, $0xF  }
0x26: {  	vm10 =	veq.s32 v3, v0;
	vm11 =	vgt.s32 v57, v56  }
0x27: {  	vm0 =	vmand vm10, vm11;
	_ =	sdelay $0x5  }
0x28: {  	[tilespmem:v55+s3+$0x0] =	vst.idx.msk vm0, v57  }
0x29: {  	v3 =	vld [tilespmem:s19+$0x0];
	_ =	sdelay $0x4  }
0x2a: {  	v58 =	vand.u32 $0x7FFF, v3;
	_ =	sdelay $0x4  }
0x2b: {  	v59 =	vld.idx.msk [tilespmem:v58+s3+$0x0], $0xffff;
	_ =	sdelay $0x2  }
0x2c: {  	s31 =	sadd.s32 $0x20, s21  }
0x2d: {  	v60 =	vor.u32 s31, v2;
	v3 =	vshrl.u32 v3, $0xF  }
0x2e: {  	vm12 =	veq.s32 v3, v0;
	vm13 =	vgt.s32 v60, v59  }
0x2f: {  	vm0 =	vmand vm12, vm13;
	_ =	sdelay $0x5  }
0x30: {  	[tilespmem:v58+s3+$0x0] =	vst.idx.msk vm0, v60  }
0x31: {  	v3 =	vld [tilespmem:s19+$0x10];
	_ =	sdelay $0x4  }
0x32: {  	v61 =	vand.u32 $0x7FFF, v3;
	_ =	sdelay $0x4  }
0x33: {  	v62 =	vld.idx.msk [tilespmem:v61+s3+$0x0], $0xffff;
	_ =	sdelay $0x2  }
0x34: {  	s21 =	sadd.s32 $0x30, s21  }
0x35: {  	v63 =	vor.u32 s21, v2;
	v3 =	vshrl.u32 v3, $0xF  }
0x36: {  	vm14 =	veq.s32 v3, v0;
	vm15 =	vgt.s32 v63, v62  }
0x37: {  	vm0 =	vmand vm14, vm15  }
0x38: {  	p0 =	sne.s32 s20, $0x3D00  }
.Ltmp1:
0x39: {  	_ = 	snop;
	(pc) =	sbr.rel @p0 .LBB2_5-.Ltmp1, $2  }
0x3a: {  	_ =	sdelay $0x2  }
0x3b: {  	s20 =	sadd.s32 $0x40, s20;
	s19 =	sadd.s32 $0x40, s19;
	[tilespmem:v61+s3+$0x0] =	vst.idx.msk vm0, v63  }
0x3c: {  	s18 =	sadd.s32 $0x1, s18  }
0x3d: {  	p0 =	sne.s32 s18, $0x40  }
.Ltmp2:
0x3e: {  	_ = 	snop;
	(pc) =	sbr.rel @p0 .LBB2_4-.Ltmp2, $2  }
0x3f: {  	_ =	sdelay $0x2  }
0x40: {  	s17 =	sadd.s32 $0x3D40, s17;
	s19 =	simm.s32 $0x0  }
0x41: {  	s16 =	sshra.s32 s19, $0x2;
	s17 =	sadd.s32 $0x40, s19  }
.LBB2_8:
0x42: {  	p0 =	sne.s32 s17, $0x1FFC0;
	v3 =	vld [tilespmem:s16+$0x0];
	_ =	sdelay $0x2  }
.Ltmp3:
0x43: {  	(pc) =	sbr.rel @p0 .LBB2_8-.Ltmp3, $4  }
0x44: {  	_ = 	snop  }
0x45: {  	vm0 =	vlt.s32 v3, $0x0  }
0x46: {  	v3 =	vsel vm0, $0xF4240, v3  }
0x47: {  	[tilespmem:s16+$0x0] =	vst v3;
	s16 =	sshra.s32 s17, $0x2;
	s17 =	sadd.s32 $0x40, s17  }
0x48: {  	v3 =	vld [tilespmem:s16+$0x0];
	_ =	sdelay $0x4  }
0x49: {  	vm0 =	vlt.s32 v3, $0x0  }
0x4a: {  	v3 =	vsel vm0, $0xF4240, v3  }
0x4b: {  	p0 =	por $0x1, $0x1;
	[tilespmem:s16+$0x0] =	vst v3;
	s16 =	simm.s32 $0x8000  }
0x4c: {  	[tilespmem:s16], [sflag:$0x1] =	stream.indirect.gather [hbm4b:s5+s11], $0x1, s19, s11, $0xb8;
	[tilespmem:$0x1BD80] =	vst v63  }
0x4d: {  	s17 =	simm.s32 $0x10000;
	s18 =	simm.s32 @!p0 $0x1  }
0x4e: {  	[tilespmem:s17], [sflag:$0x1] =	stream.indirect.gather [hbm4b:s2+s11], $0x1, s19, s11, $0xb8;
	[tilespmem:$0x1BD80] =	vst v63  }
0x4f: {  	_ =	swait.ge @!p0 [sflag:s18], $0x80  }
0x50: {  	[sflag:s18] =	ssyncset.done @!p0 $0x0  }
0x51: {  	s20 =	simm.s32 $0x10080;
	[sflag:s18] =	ssyncadd.s32 @!p0 $0xFFFFFF80  }
0x52: {  	s17 =	simm.s32 $0x1;
	s19 =	simm.s32 $0x80;
	_ =	swait.ge @!p0 [sflag:s18], $0x80  }
.LBB2_10:
0x53: {  	[sflag:s18] =	ssyncset.done @!p0 $0x0  }
0x54: {  	s16 =	sadd.s32 $0x80, s16;
	s21 =	smov.u32 s17;
	s17 =	sadd.s32 $0x1, s17  }
0x55: {  	p1 =	sne.s32 s17, $0x100;
	[sflag:s18] =	ssyncadd.s32 @!p0 $0xFFFFFF80  }
0x56: {  	[tilespmem:s16], [sflag:$0x1] =	stream.indirect.gather [hbm4b:s5+s11], $0x1, s19, s11, $0xb8;
	[tilespmem:$0x1BD80] =	vst v63  }
0x57: {  	p0 =	slt.u32 s21, $0x8  }
0x58: {  	[tilespmem:s20], [sflag:$0x1] =	stream.indirect.gather [hbm4b:s2+s11], $0x1, s19, s11, $0xb8;
	[tilespmem:$0x1BD80] =	vst v63  }
.Ltmp4:
0x59: {  	s18 =	simm.s32 @!p0 $0x1;
	(pc) =	sbr.rel @p1 .LBB2_10-.Ltmp4, $4  }
0x5a: {  	_ =	swait.ge @!p0 [sflag:s18], $0x80  }
0x5b: {  	[sflag:s18] =	ssyncset.done @!p0 $0x0  }
0x5c: {  	[sflag:s18] =	ssyncadd.s32 @!p0 $0xFFFFFF80  }
0x5d: {  	s19 =	sadd.s32 $0x80, s19;
	s20 =	sadd.s32 $0x80, s20;
	_ =	swait.ge @!p0 [sflag:s18], $0x80  }
0x5e: {  	[sflag:s18] =	ssyncset.done @!p0 $0x0  }
0x5f: {  	[sflag:s18] =	ssyncadd.s32 @!p0 $0xFFFFFF80  }
0x60: {  	_ =	swait.ge [sflag:s12], $0x80  }
0x61: {  	[sflag:s12] =	ssyncset.done $0x0  }
0x62: {  	[sflag:s12] =	ssyncadd.s32 $0xFFFFFF80  }
0x63: {  	_ =	swait.ge [sflag:s12], $0x80  }
0x64: {  	[sflag:s12] =	ssyncset.done $0x0  }
0x65: {  	[sflag:s12] =	ssyncadd.s32 $0xFFFFFF80  }
0x66: {  	_ =	swait.ge [sflag:s12], $0x80  }
0x67: {  	[sflag:s12] =	ssyncset.done $0x0  }
0x68: {  	[sflag:s12] =	ssyncadd.s32 $0xFFFFFF80  }
0x69: {  	_ =	swait.ge [sflag:s12], $0x80  }
0x6a: {  	[sflag:s12] =	ssyncset.done $0x0  }
0x6b: {  	[sflag:s12] =	ssyncadd.s32 $0xFFFFFF80  }
0x6c: {  	_ =	swait.ge [sflag:s12], $0x80  }
0x6d: {  	[sflag:s12] =	ssyncset.done $0x0  }
0x6e: {  	[sflag:s12] =	ssyncadd.s32 $0xFFFFFF80  }
0x6f: {  	_ =	swait.ge [sflag:s12], $0x80  }
0x70: {  	[sflag:s12] =	ssyncset.done $0x0  }
0x71: {  	[sflag:s12] =	ssyncadd.s32 $0xFFFFFF80  }
0x72: {  	_ =	swait.ge [sflag:s12], $0x80  }
0x73: {  	[sflag:s12] =	ssyncset.done $0x0  }
0x74: {  	[sflag:s12] =	ssyncadd.s32 $0xFFFFFF80  }
0x75: {  	_ =	swait.ge [sflag:s12], $0x80  }
0x76: {  	[sflag:s12] =	ssyncset.done $0x0  }
0x77: {  	[sflag:s12] =	ssyncadd.s32 $0xFFFFFF80  }
0x78: {  	_ =	swait.ge [sflag:s12], $0x80  }
0x79: {  	[sflag:s12] =	ssyncset.done $0x0  }
0x7a: {  	[sflag:s12] =	ssyncadd.s32 $0xFFFFFF80  }
0x7b: {  	_ =	swait.ge [sflag:s12], $0x80  }
0x7c: {  	[sflag:s12] =	ssyncset.done $0x0  }
0x7d: {  	[sflag:s12] =	ssyncadd.s32 $0xFFFFFF80  }
0x7e: {  	_ =	swait.ge [sflag:s12], $0x80  }
0x7f: {  	[sflag:s12] =	ssyncset.done $0x0  }
0x80: {  	[sflag:s12] =	ssyncadd.s32 $0xFFFFFF80  }
0x81: {  	_ =	swait.ge [sflag:s12], $0x80  }
0x82: {  	[sflag:s12] =	ssyncset.done $0x0  }
0x83: {  	[sflag:s12] =	ssyncadd.s32 $0xFFFFFF80  }
0x84: {  	_ =	swait.ge [sflag:s12], $0x80  }
0x85: {  	[sflag:s12] =	ssyncset.done $0x0  }
0x86: {  	[sflag:s12] =	ssyncadd.s32 $0xFFFFFF80  }
0x87: {  	_ =	swait.ge [sflag:s12], $0x80  }
0x88: {  	[sflag:s12] =	ssyncset.done $0x0  }
0x89: {  	[sflag:s12] =	ssyncadd.s32 $0xFFFFFF80  }
0x8a: {  	_ =	swait.ge [sflag:s12], $0x80  }
0x8b: {  	[sflag:s12] =	ssyncset.done $0x0  }
0x8c: {  	[sflag:s12] =	ssyncadd.s32 $0xFFFFFF80  }
0x8d: {  	_ =	swait.ge [sflag:s12], $0x80  }
0x8e: {  	[sflag:s12] =	ssyncset.done $0x0  }
0x8f: {  	[sflag:s12] =	ssyncadd.s32 $0xFFFFFF80  }
0x90: {  	[hbm4b:s6+s3] =	stream.linear.scatter [tilespmem:s13], [sflag:$0x2], $0x8000, $0x38;
	[tilespmem:$0x1BD80] =	vst v63  }
0x91: {  	s15 =	sadd.s32 $0x1, s15;
	_ =	swait.ge [sflag:s10], $0x8000  }
0x92: {  	p0 =	sne.s32 s15, s8;
	[sflag:s10] =	ssyncset.done $0x0  }
.Ltmp5:
0x93: {  	[sflag:s10] =	ssyncadd.s32 $0xFFFF8000;
	(pc) =	sbr.rel @p0 .LBB2_1-.Ltmp5, $4  }
0x94: {  	[hbm4b:s7+s3] =	stream.linear.scatter [tilespmem:s14], [sflag:$0x2], $0x8000, $0x38;
	[tilespmem:$0x1BD80] =	vst v63  }
0x95: {  	_ =	swait.ge [sflag:s10], $0x8000  }
0x96: {  	[sflag:s10] =	ssyncset.done $0x0  }
0x97: {  	[sflag:s10] =	ssyncadd.s32 $0xFFFF8000  }
0x98: {  	_ =	sfence.sel $0x180000  }
0x99: {  	[bflag:$0x0] =	sbarrier.arrive $0xFFFF  }
0x9a: {  	p0 =	sne.s32 s1, $0x0;
	_ =	strace $0x90000047  }
0x9b: {  	s0 =	sadd.s32 @!p0 $0x100000, s0;
	[bflag:$0x2] =	sbarrier.arrive $0xFFFF  }
0x9c: {  	[sflag:s0] =	ssyncadd.tile.s32 @!p0 $0x1;
	_ =	shalt  }
.Lfunc_end2:
_tile_overlayer_lowered:
.L_overlay_start_2:
0x9d: {  	(tag) =	ssettag $0x2  }
0x9e: {  	s0 =	rddreg [dreg:$0x0];
	s2 =	stileid.u32  }
0x9f: {  	s1 =	rddreg [dreg:$0x1];
	p0 =	sne.s32 s2, $0x0  }
0xa0: {  	s3 =	rddreg [dreg:$0x2];
	[bflag:$0x3] =	sbarrier.arrive $0xFFFF;
	s2 =	simm.s32 @!p0 $0x1C02  }
0xa1: {  	[timem:s3], [sflag:s2] =	dma.local @!p0 [hbm:s0], s1  }
0xa2: {  	s0 =	simm.s32 @!p0 $0x2  }
0xa3: {  	_ =	swait.ge @!p0 [sflag:s0], s1  }
0xa4: {  	s1 =	ssub.s32 @!p0 $0x0, s1;
	[sflag:s0] =	ssyncset.done @!p0 $0x0  }
0xa5: {  	[sflag:s0] =	ssyncadd.s32 @!p0 s1  }
0xa6: {  	[bflag:$0x3] =	sbarrier.arrive $0xFFFF  }
0xa7: {  	_ =	shalt  }

</sc_bundles>
